<compile_context>
chip_gen: v7x
topology: tpu7x:2x2x1
jax: 0.10.2.dev20260603
libtpu: 0.0.44.dev20260713+nightly
codegen_flags: <defaults>
</compile_context>

<pallas_src>
import functools

import jax
import jax.numpy as jnp
from jax import lax
from jax.experimental import pallas as pl
from jax.experimental.pallas import tpu as pltpu
from jax.experimental.pallas import tpu_sc as plsc

B, L, H, T = 16, 512, 256, 4096
LANES = 16
NC = 2
NS = 16


BB = 2


def _sc_regulate(dur_hbm, idx_hbm, mask_hbm, tot_hbm, dur_v, cum_v, idx_v,
                 mask_v, tot_v):
    wid = lax.axis_index("s") * NC + lax.axis_index("c")

    @pl.when(wid < B)
    def _():
        b = wid
        pltpu.sync_copy(dur_hbm.at[b], dur_v)
        iota = lax.broadcasted_iota(jnp.int32, (LANES,), 0)

        def scan_chunk(i, carry):
            v = dur_v[pl.ds(i * LANES, LANES)]
            s = plsc.cumsum(v)
            cum_v[pl.ds(i * LANES, LANES)] = (s - v) + carry
            return carry + jnp.sum(v)

        total = lax.fori_loop(0, L // LANES, scan_chunk, jnp.int32(0))

        def fill_chunk(j, c):
            tv = j * LANES + iota
            idx_v[pl.ds(j * LANES, LANES)] = jnp.full((LANES,), L, jnp.int32)
            mask_v[pl.ds(j * LANES, LANES)] = (tv < total).astype(jnp.float32)
            return c

        lax.fori_loop(0, T // LANES, fill_chunk, jnp.int32(0))

        def scat_chunk(i, c):
            lvec = i * LANES + iota
            dv = dur_v[pl.ds(i * LANES, LANES)]
            cp = cum_v[pl.ds(i * LANES, LANES)]
            for d in range(7):
                plsc.store_scatter(idx_v, [cp + d], lvec, mask=dv > d)
            return c

        lax.fori_loop(0, L // LANES, scat_chunk, jnp.int32(0))

        tot_v[...] = jnp.full((LANES,), total, jnp.int32)
        pltpu.sync_copy(idx_v, idx_hbm.at[b])
        pltpu.sync_copy(mask_v, mask_hbm.at[b])
        pltpu.sync_copy(tot_v, tot_hbm.at[b])


_sc_call = functools.partial(
    pl.kernel,
    out_type=[
        jax.ShapeDtypeStruct((B, T), jnp.int32),
        jax.ShapeDtypeStruct((B, T), jnp.float32),
        jax.ShapeDtypeStruct((B, LANES), jnp.int32),
    ],
    mesh=plsc.VectorSubcoreMesh(
        core_axis_name="c", subcore_axis_name="s",
        num_cores=NC, num_subcores=NS,
    ),
    scratch_types=[
        pltpu.VMEM((L,), jnp.int32),
        pltpu.VMEM((L,), jnp.int32),
        pltpu.VMEM((T,), jnp.int32),
        pltpu.VMEM((T,), jnp.float32),
        pltpu.VMEM((LANES,), jnp.int32),
    ],
    compiler_params=pltpu.CompilerParams(needs_layout_passes=False),
)(_sc_regulate)


def _tc_expand(idx_ref, enc_ref, out_ref):
    for i in range(BB):
        out_ref[i] = jnp.zeros((H, T), jnp.float32)


@jax.jit
def kernel(encoder_hidden_states, durations_gt):
    idx, mask, _ = _sc_call(durations_gt)
    out = pl.pallas_call(
        _tc_expand,
        grid=(B // BB,),
        in_specs=[
            pl.BlockSpec((BB, 1, T), lambda b: (b, 0, 0)),
            pl.BlockSpec((BB, L, H), lambda b: (b, 0, 0)),
        ],
        out_specs=pl.BlockSpec((BB, H, T), lambda b: (b, 0, 0)),
        out_shape=jax.ShapeDtypeStruct((B, H, T), jnp.float32),
    )(idx.reshape(B, 1, T), encoder_hidden_states.astype(jnp.bfloat16))
    return out, mask

# --- scband reference (transcript-rebuilt; emitter-appended) ---
"""Pipeline reference for scband-length-regulator-43576738185337 (READ-ONLY COPY).

The authoritative reference and input builder live on the scoring server;
editing this copy changes nothing except your own understanding.
"""

import jax, jax.numpy as jnp
import numpy as np

B, L, H, T = 16, 512, 256, 4096

def setup_inputs(seed: int = 0):
    key = jax.random.key(seed)
    k1, k2 = jax.random.split(key)
    encoder_hidden_states = jax.random.normal(k1, (B, L, H), dtype=jnp.float32)
    durations_gt = jax.random.randint(k2, (B, L), 0, 8, dtype=jnp.int32)
    return {"encoder_hidden_states": encoder_hidden_states, "durations_gt": durations_gt}

def reference(encoder_hidden_states, durations_gt):
    # Length regulator: repeat each encoder frame by its duration, pad to T frames.
    dur = durations_gt.astype(jnp.int32)
    cum = jnp.cumsum(dur, axis=1)  # [B, L], nondecreasing
    t = jnp.arange(T, dtype=jnp.int32)  # [T]
    # phoneme index feeding output frame t: first index whose cumulative duration exceeds t
    idx = jax.vmap(lambda c: jnp.searchsorted(c, t, side='right'))(cum)  # [B, T]
    real_length = cum[:, -1]  # [B]
    valid = t[None, :] < real_length[:, None]  # [B, T]
    idx = jnp.clip(idx, 0, L - 1)
    expanded = jnp.take_along_axis(encoder_hidden_states, idx[:, :, None], axis=1)  # [B, T, H]
    expanded = expanded * valid[:, :, None].astype(encoder_hidden_states.dtype)
    outputs = jnp.transpose(expanded, (0, 2, 1))  # [B, H, T] matching custom-op output shape
    encoder_masks = valid.astype(jnp.float32)  # tf.sequence_mask(real_length, T) cast to dtype
    return outputs, encoder_masks

if __name__ == "__main__":
    import jax
    _d = setup_inputs()
    print(jax.jit(kernel)(*tuple(_d.values())))

</pallas_src>

<mosaic_0001>
#map = affine_map<(d0, d1) -> (0, 0)>
module attributes {stable_mosaic.version = 14 : i64} {
  func.func @_sc_regulate(%arg0: i32, %arg1: i32, %arg2: memref<16x512xi32, #tpu.memory_space<hbm>>, %arg3: memref<16x4096xi32, #tpu.memory_space<hbm>>, %arg4: memref<16x4096xf32, #tpu.memory_space<hbm>>, %arg5: memref<16x16xi32, #tpu.memory_space<hbm>>, %arg6: memref<512xi32, #tpu.memory_space<vmem>>, %arg7: memref<512xi32, #tpu.memory_space<vmem>>, %arg8: memref<4096xi32, #tpu.memory_space<vmem>>, %arg9: memref<4096xf32, #tpu.memory_space<vmem>>, %arg10: memref<16xi32, #tpu.memory_space<vmem>>) attributes {dimension_semantics = [#tpu.dimension_semantics<core_parallel>, #tpu.dimension_semantics<subcore_parallel>], iteration_bounds = array<i64: 2, 16>, scalar_prefetch = 0 : i64, scratch_operands = 5 : i64, tpu.core_type = #tpu.core_type<sc_vector_subcore>, window_params = [{transform_indices = #map}, {transform_indices = #map}, {transform_indices = #map}, {transform_indices = #map}]} {
    %mul3A = arith.constant 2 : i32
    %mul3A_0 = arith.muli %arg1, %mul3A : i32
    %add3A = arith.addi %mul3A_0, %arg0 : i32
    %lt3A = arith.constant 16 : i32
    %lt3A_1 = arith.cmpi slt, %add3A, %lt3A : i32
    %convert_element_type3A = arith.extui %lt3A_1 : i1 to i32
    %cond3A = arith.constant 0 : i32
    %cond3A_2 = arith.cmpi ne, %convert_element_type3A, %cond3A : i32
    scf.if %cond3A_2 {
      "tpu.region"() ({
        %run_scoped3A = tpu.sem_alloc : memref<!tpu.dma_semaphore, #tpu.memory_space<semaphore_mem>>
        %dma_start3A = arith.constant 0 : i32
        %dma_start3A_22 = tpu.memref_slice %arg2[%add3A, %dma_start3A] : memref<16x512xi32, #tpu.memory_space<hbm>> -> memref<1x512xi32, #tpu.memory_space<hbm>>
        %dma_start3A_23 = tpu.memref_squeeze %dma_start3A_22 : memref<1x512xi32, #tpu.memory_space<hbm>> -> memref<512xi32, #tpu.memory_space<hbm>>
        %dma_start3A_24 = arith.constant 0 : i32
        %dma_start3A_25 = tpu.memref_slice %arg2[%add3A, %dma_start3A_24] : memref<16x512xi32, #tpu.memory_space<hbm>> -> memref<1x512xi32, #tpu.memory_space<hbm>>
        %dma_start3A_26 = tpu.memref_squeeze %dma_start3A_25 : memref<1x512xi32, #tpu.memory_space<hbm>> -> memref<512xi32, #tpu.memory_space<hbm>>
        tpu.enqueue_dma source(%dma_start3A_26 : memref<512xi32, #tpu.memory_space<hbm>>) target(%arg6 : memref<512xi32, #tpu.memory_space<vmem>>) target_semaphore(%run_scoped3A : memref<!tpu.dma_semaphore, #tpu.memory_space<semaphore_mem>>)
        %dma_wait3A = arith.constant 0 : i32
        %dma_wait3A_27 = tpu.memref_slice %arg2[%add3A, %dma_wait3A] : memref<16x512xi32, #tpu.memory_space<hbm>> -> memref<1x512xi32, #tpu.memory_space<hbm>>
        %dma_wait3A_28 = tpu.memref_squeeze %dma_wait3A_27 : memref<1x512xi32, #tpu.memory_space<hbm>> -> memref<512xi32, #tpu.memory_space<hbm>>
        %dma_wait3A_29 = arith.constant 0 : i32
        %dma_wait3A_30 = tpu.memref_slice %arg2[%add3A, %dma_wait3A_29] : memref<16x512xi32, #tpu.memory_space<hbm>> -> memref<1x512xi32, #tpu.memory_space<hbm>>
        %dma_wait3A_31 = tpu.memref_squeeze %dma_wait3A_30 : memref<1x512xi32, #tpu.memory_space<hbm>> -> memref<512xi32, #tpu.memory_space<hbm>>
        tpu.wait_dma2 semaphore(%run_scoped3A : memref<!tpu.dma_semaphore, #tpu.memory_space<semaphore_mem>>) src(%dma_wait3A_31 : memref<512xi32, #tpu.memory_space<hbm>>) dst(%arg6 : memref<512xi32, #tpu.memory_space<vmem>>)
        tpu.yield
      }) : () -> ()
      %iota3A = tpu.iota {dimensions = array<i32: 0>} : vector<16xi32>
      %scan3A = arith.constant 0 : i32
      %scan3A_3 = arith.constant 0 : i32
      %scan3A_4 = arith.constant 32 : i32
      %scan3A_5 = arith.addi %scan3A_3, %scan3A_4 : i32
      %scan3A_6 = arith.constant 1 : i32
      %scan3A_7 = scf.for %scan3A_22 = %scan3A_3 to %scan3A_5 step %scan3A_6 iter_args(%scan3A_23 = %scan3A) -> (i32)  : i32 {
        %mul3A_24 = arith.constant 16 : i32
        %mul3A_25 = arith.muli %scan3A_22, %mul3A_24 : i32
        %get3A = arith.index_cast %mul3A_25 : i32 to index
        %get3A_26 = tpu.vector_load %arg6[%get3A] {strides = array<i32>} : memref<512xi32, #tpu.memory_space<vmem>>, vector<16xi32>,
        %broadcast_in_dim3A_27 = arith.constant true
        %broadcast_in_dim3A_28 = vector.broadcast %broadcast_in_dim3A_27 : i1 to vector<16xi1>
        %masked_cumsum3A = tpu.scan <sum>, %get3A_26 masked %broadcast_in_dim3A_28 : vector<16xi32>, vector<16xi1> -> vector<16xi32>
        %sub3A = arith.subi %masked_cumsum3A, %get3A_26 : vector<16xi32>
        %add3A_29 = vector.broadcast %scan3A_23 : i32 to vector<16xi32>
        %add3A_30 = arith.addi %sub3A, %add3A_29 : vector<16xi32>
        %mul3A_31 = arith.constant 16 : i32
        %mul3A_32 = arith.muli %scan3A_22, %mul3A_31 : i32
        %swap3A_33 = arith.index_cast %mul3A_32 : i32 to index
        %swap3A_34 = tpu.vector_load %arg7[%swap3A_33] {strides = array<i32>} : memref<512xi32, #tpu.memory_space<vmem>>, vector<16xi32>,
        tpu.vector_store %arg7[%swap3A_33], %add3A_30 {strides = array<i32>} : memref<512xi32, #tpu.memory_space<vmem>>, vector<16xi32>,
        %reduce_sum3A = arith.constant true
        %reduce_sum3A_35 = vector.broadcast %reduce_sum3A : i1 to vector<16xi1>
        %reduce_sum3A_36 = tpu.scan <sum>, %get3A_26 masked %reduce_sum3A_35 : vector<16xi32>, vector<16xi1> -> vector<16xi32>
        %reduce_sum3A_37 = vector.extract %reduce_sum3A_36[15] : i32 from vector<16xi32>
        %add3A_38 = arith.addi %scan3A_23, %reduce_sum3A_37 : i32
        scf.yield %add3A_38 : i32
      }
      %scan3A_8 = arith.constant 32 : i32
      %scan3A_9 = arith.constant 0 : i32
      %scan3A_10 = arith.constant 0 : i32
      %scan3A_11 = arith.constant 256 : i32
      %scan3A_12 = arith.addi %scan3A_10, %scan3A_11 : i32
      %scan3A_13 = arith.constant 1 : i32
      scf.for %scan3A_22 = %scan3A_10 to %scan3A_12 step %scan3A_13  : i32 {
        %mul3A_23 = arith.constant 16 : i32
        %mul3A_24 = arith.muli %scan3A_22, %mul3A_23 : i32
        %add3A_25 = vector.broadcast %mul3A_24 : i32 to vector<16xi32>
        %add3A_26 = arith.addi %add3A_25, %iota3A : vector<16xi32>
        %broadcast_in_dim3A_27 = arith.constant 512 : i32
        %broadcast_in_dim3A_28 = vector.broadcast %broadcast_in_dim3A_27 : i32 to vector<16xi32>
        %mul3A_29 = arith.constant 16 : i32
        %mul3A_30 = arith.muli %scan3A_22, %mul3A_29 : i32
        %swap3A_31 = arith.index_cast %mul3A_30 : i32 to index
        %swap3A_32 = tpu.vector_load %arg8[%swap3A_31] {strides = array<i32>} : memref<4096xi32, #tpu.memory_space<vmem>>, vector<16xi32>,
        tpu.vector_store %arg8[%swap3A_31], %broadcast_in_dim3A_28 {strides = array<i32>} : memref<4096xi32, #tpu.memory_space<vmem>>, vector<16xi32>,
        %lt3A_33 = vector.broadcast %scan3A_7 : i32 to vector<16xi32>
        %lt3A_34 = arith.cmpi slt, %add3A_26, %lt3A_33 : vector<16xi32>
        %convert_element_type3A_35 = arith.extui %lt3A_34 : vector<16xi1> to vector<16xi32>
        %convert_element_type3A_36 = arith.sitofp %convert_element_type3A_35 : vector<16xi32> to vector<16xf32>
        %mul3A_37 = arith.constant 16 : i32
        %mul3A_38 = arith.muli %scan3A_22, %mul3A_37 : i32
        %swap3A_39 = arith.index_cast %mul3A_38 : i32 to index
        %swap3A_40 = tpu.vector_load %arg9[%swap3A_39] {strides = array<i32>} : memref<4096xf32, #tpu.memory_space<vmem>>, vector<16xf32>,
        tpu.vector_store %arg9[%swap3A_39], %convert_element_type3A_36 {strides = array<i32>} : memref<4096xf32, #tpu.memory_space<vmem>>, vector<16xf32>,
      }
      %scan3A_14 = arith.constant 256 : i32
      %scan3A_15 = arith.constant 0 : i32
      %scan3A_16 = arith.constant 0 : i32
      %scan3A_17 = arith.constant 32 : i32
      %scan3A_18 = arith.addi %scan3A_16, %scan3A_17 : i32
      %scan3A_19 = arith.constant 1 : i32
      scf.for %scan3A_22 = %scan3A_16 to %scan3A_18 step %scan3A_19  : i32 {
        %mul3A_23 = arith.constant 16 : i32
        %mul3A_24 = arith.muli %scan3A_22, %mul3A_23 : i32
        %add3A_25 = vector.broadcast %mul3A_24 : i32 to vector<16xi32>
        %add3A_26 = arith.addi %add3A_25, %iota3A : vector<16xi32>
        %mul3A_27 = arith.constant 16 : i32
        %mul3A_28 = arith.muli %scan3A_22, %mul3A_27 : i32
        %get3A = arith.index_cast %mul3A_28 : i32 to index
        %get3A_29 = tpu.vector_load %arg6[%get3A] {strides = array<i32>} : memref<512xi32, #tpu.memory_space<vmem>>, vector<16xi32>,
        %mul3A_30 = arith.constant 16 : i32
        %mul3A_31 = arith.muli %scan3A_22, %mul3A_30 : i32
        %get3A_32 = arith.index_cast %mul3A_31 : i32 to index
        %get3A_33 = tpu.vector_load %arg7[%get3A_32] {strides = array<i32>} : memref<512xi32, #tpu.memory_space<vmem>>, vector<16xi32>,
        %add3A_34 = arith.constant 0 : i32
        %add3A_35 = vector.broadcast %add3A_34 : i32 to vector<16xi32>
        %add3A_36 = arith.addi %get3A_33, %add3A_35 : vector<16xi32>
        %gt3A = arith.constant 0 : i32
        %gt3A_37 = vector.broadcast %gt3A : i32 to vector<16xi32>
        %gt3A_38 = arith.cmpi sgt, %get3A_29, %gt3A_37 : vector<16xi32>
        tpu.vector_store_idx %arg8[%add3A_36], %add3A_26 masked %gt3A_38 : memref<4096xi32, #tpu.memory_space<vmem>>[vector<16xi32>], vector<16xi32>, vector<16xi1>
        %add3A_39 = arith.constant 1 : i32
        %add3A_40 = vector.broadcast %add3A_39 : i32 to vector<16xi32>
        %add3A_41 = arith.addi %get3A_33, %add3A_40 : vector<16xi32>
        %gt3A_42 = arith.constant 1 : i32
        %gt3A_43 = vector.broadcast %gt3A_42 : i32 to vector<16xi32>
        %gt3A_44 = arith.cmpi sgt, %get3A_29, %gt3A_43 : vector<16xi32>
        tpu.vector_store_idx %arg8[%add3A_41], %add3A_26 masked %gt3A_44 : memref<4096xi32, #tpu.memory_space<vmem>>[vector<16xi32>], vector<16xi32>, vector<16xi1>
        %add3A_45 = arith.constant 2 : i32
        %add3A_46 = vector.broadcast %add3A_45 : i32 to vector<16xi32>
        %add3A_47 = arith.addi %get3A_33, %add3A_46 : vector<16xi32>
        %gt3A_48 = arith.constant 2 : i32
        %gt3A_49 = vector.broadcast %gt3A_48 : i32 to vector<16xi32>
        %gt3A_50 = arith.cmpi sgt, %get3A_29, %gt3A_49 : vector<16xi32>
        tpu.vector_store_idx %arg8[%add3A_47], %add3A_26 masked %gt3A_50 : memref<4096xi32, #tpu.memory_space<vmem>>[vector<16xi32>], vector<16xi32>, vector<16xi1>
        %add3A_51 = arith.constant 3 : i32
        %add3A_52 = vector.broadcast %add3A_51 : i32 to vector<16xi32>
        %add3A_53 = arith.addi %get3A_33, %add3A_52 : vector<16xi32>
        %gt3A_54 = arith.constant 3 : i32
        %gt3A_55 = vector.broadcast %gt3A_54 : i32 to vector<16xi32>
        %gt3A_56 = arith.cmpi sgt, %get3A_29, %gt3A_55 : vector<16xi32>
        tpu.vector_store_idx %arg8[%add3A_53], %add3A_26 masked %gt3A_56 : memref<4096xi32, #tpu.memory_space<vmem>>[vector<16xi32>], vector<16xi32>, vector<16xi1>
        %add3A_57 = arith.constant 4 : i32
        %add3A_58 = vector.broadcast %add3A_57 : i32 to vector<16xi32>
        %add3A_59 = arith.addi %get3A_33, %add3A_58 : vector<16xi32>
        %gt3A_60 = arith.constant 4 : i32
        %gt3A_61 = vector.broadcast %gt3A_60 : i32 to vector<16xi32>
        %gt3A_62 = arith.cmpi sgt, %get3A_29, %gt3A_61 : vector<16xi32>
        tpu.vector_store_idx %arg8[%add3A_59], %add3A_26 masked %gt3A_62 : memref<4096xi32, #tpu.memory_space<vmem>>[vector<16xi32>], vector<16xi32>, vector<16xi1>
        %add3A_63 = arith.constant 5 : i32
        %add3A_64 = vector.broadcast %add3A_63 : i32 to vector<16xi32>
        %add3A_65 = arith.addi %get3A_33, %add3A_64 : vector<16xi32>
        %gt3A_66 = arith.constant 5 : i32
        %gt3A_67 = vector.broadcast %gt3A_66 : i32 to vector<16xi32>
        %gt3A_68 = arith.cmpi sgt, %get3A_29, %gt3A_67 : vector<16xi32>
        tpu.vector_store_idx %arg8[%add3A_65], %add3A_26 masked %gt3A_68 : memref<4096xi32, #tpu.memory_space<vmem>>[vector<16xi32>], vector<16xi32>, vector<16xi1>
        %add3A_69 = arith.constant 6 : i32
        %add3A_70 = vector.broadcast %add3A_69 : i32 to vector<16xi32>
        %add3A_71 = arith.addi %get3A_33, %add3A_70 : vector<16xi32>
        %gt3A_72 = arith.constant 6 : i32
        %gt3A_73 = vector.broadcast %gt3A_72 : i32 to vector<16xi32>
        %gt3A_74 = arith.cmpi sgt, %get3A_29, %gt3A_73 : vector<16xi32>
        tpu.vector_store_idx %arg8[%add3A_71], %add3A_26 masked %gt3A_74 : memref<4096xi32, #tpu.memory_space<vmem>>[vector<16xi32>], vector<16xi32>, vector<16xi1>
      }
      %scan3A_20 = arith.constant 32 : i32
      %broadcast_in_dim3A = vector.broadcast %scan3A_7 : i32 to vector<16xi32>
      %swap3A = arith.constant 0 : index
      %swap3A_21 = tpu.vector_load %arg10[%swap3A] {strides = array<i32>} : memref<16xi32, #tpu.memory_space<vmem>>, vector<16xi32>,
      tpu.vector_store %arg10[%swap3A], %broadcast_in_dim3A {strides = array<i32>} : memref<16xi32, #tpu.memory_space<vmem>>, vector<16xi32>,
      "tpu.region"() ({
        %run_scoped3A = tpu.sem_alloc : memref<!tpu.dma_semaphore, #tpu.memory_space<semaphore_mem>>
        %dma_start3A = arith.constant 0 : i32
        %dma_start3A_22 = tpu.memref_slice %arg3[%add3A, %dma_start3A] : memref<16x4096xi32, #tpu.memory_space<hbm>> -> memref<1x4096xi32, #tpu.memory_space<hbm>>
        %dma_start3A_23 = tpu.memref_squeeze %dma_start3A_22 : memref<1x4096xi32, #tpu.memory_space<hbm>> -> memref<4096xi32, #tpu.memory_space<hbm>>
        %dma_start3A_24 = arith.constant 0 : i32
        %dma_start3A_25 = tpu.memref_slice %arg3[%add3A, %dma_start3A_24] : memref<16x4096xi32, #tpu.memory_space<hbm>> -> memref<1x4096xi32, #tpu.memory_space<hbm>>
        %dma_start3A_26 = tpu.memref_squeeze %dma_start3A_25 : memref<1x4096xi32, #tpu.memory_space<hbm>> -> memref<4096xi32, #tpu.memory_space<hbm>>
        tpu.enqueue_dma source(%arg8 : memref<4096xi32, #tpu.memory_space<vmem>>) target(%dma_start3A_26 : memref<4096xi32, #tpu.memory_space<hbm>>) target_semaphore(%run_scoped3A : memref<!tpu.dma_semaphore, #tpu.memory_space<semaphore_mem>>)
        %dma_wait3A = arith.constant 0 : i32
        %dma_wait3A_27 = tpu.memref_slice %arg3[%add3A, %dma_wait3A] : memref<16x4096xi32, #tpu.memory_space<hbm>> -> memref<1x4096xi32, #tpu.memory_space<hbm>>
        %dma_wait3A_28 = tpu.memref_squeeze %dma_wait3A_27 : memref<1x4096xi32, #tpu.memory_space<hbm>> -> memref<4096xi32, #tpu.memory_space<hbm>>
        %dma_wait3A_29 = arith.constant 0 : i32
        %dma_wait3A_30 = tpu.memref_slice %arg3[%add3A, %dma_wait3A_29] : memref<16x4096xi32, #tpu.memory_space<hbm>> -> memref<1x4096xi32, #tpu.memory_space<hbm>>
        %dma_wait3A_31 = tpu.memref_squeeze %dma_wait3A_30 : memref<1x4096xi32, #tpu.memory_space<hbm>> -> memref<4096xi32, #tpu.memory_space<hbm>>
        tpu.wait_dma2 semaphore(%run_scoped3A : memref<!tpu.dma_semaphore, #tpu.memory_space<semaphore_mem>>) src(%arg8 : memref<4096xi32, #tpu.memory_space<vmem>>) dst(%dma_wait3A_31 : memref<4096xi32, #tpu.memory_space<hbm>>)
        tpu.yield
      }) : () -> ()
      "tpu.region"() ({
        %run_scoped3A = tpu.sem_alloc : memref<!tpu.dma_semaphore, #tpu.memory_space<semaphore_mem>>
        %dma_start3A = arith.constant 0 : i32
        %dma_start3A_22 = tpu.memref_slice %arg4[%add3A, %dma_start3A] : memref<16x4096xf32, #tpu.memory_space<hbm>> -> memref<1x4096xf32, #tpu.memory_space<hbm>>
        %dma_start3A_23 = tpu.memref_squeeze %dma_start3A_22 : memref<1x4096xf32, #tpu.memory_space<hbm>> -> memref<4096xf32, #tpu.memory_space<hbm>>
        %dma_start3A_24 = arith.constant 0 : i32
        %dma_start3A_25 = tpu.memref_slice %arg4[%add3A, %dma_start3A_24] : memref<16x4096xf32, #tpu.memory_space<hbm>> -> memref<1x4096xf32, #tpu.memory_space<hbm>>
        %dma_start3A_26 = tpu.memref_squeeze %dma_start3A_25 : memref<1x4096xf32, #tpu.memory_space<hbm>> -> memref<4096xf32, #tpu.memory_space<hbm>>
        tpu.enqueue_dma source(%arg9 : memref<4096xf32, #tpu.memory_space<vmem>>) target(%dma_start3A_26 : memref<4096xf32, #tpu.memory_space<hbm>>) target_semaphore(%run_scoped3A : memref<!tpu.dma_semaphore, #tpu.memory_space<semaphore_mem>>)
        %dma_wait3A = arith.constant 0 : i32
        %dma_wait3A_27 = tpu.memref_slice %arg4[%add3A, %dma_wait3A] : memref<16x4096xf32, #tpu.memory_space<hbm>> -> memref<1x4096xf32, #tpu.memory_space<hbm>>
        %dma_wait3A_28 = tpu.memref_squeeze %dma_wait3A_27 : memref<1x4096xf32, #tpu.memory_space<hbm>> -> memref<4096xf32, #tpu.memory_space<hbm>>
        %dma_wait3A_29 = arith.constant 0 : i32
        %dma_wait3A_30 = tpu.memref_slice %arg4[%add3A, %dma_wait3A_29] : memref<16x4096xf32, #tpu.memory_space<hbm>> -> memref<1x4096xf32, #tpu.memory_space<hbm>>
        %dma_wait3A_31 = tpu.memref_squeeze %dma_wait3A_30 : memref<1x4096xf32, #tpu.memory_space<hbm>> -> memref<4096xf32, #tpu.memory_space<hbm>>
        tpu.wait_dma2 semaphore(%run_scoped3A : memref<!tpu.dma_semaphore, #tpu.memory_space<semaphore_mem>>) src(%arg9 : memref<4096xf32, #tpu.memory_space<vmem>>) dst(%dma_wait3A_31 : memref<4096xf32, #tpu.memory_space<hbm>>)
        tpu.yield
      }) : () -> ()
      "tpu.region"() ({
        %run_scoped3A = tpu.sem_alloc : memref<!tpu.dma_semaphore, #tpu.memory_space<semaphore_mem>>
        %dma_start3A = arith.constant 0 : i32
        %dma_start3A_22 = tpu.memref_slice %arg5[%add3A, %dma_start3A] : memref<16x16xi32, #tpu.memory_space<hbm>> -> memref<1x16xi32, #tpu.memory_space<hbm>>
        %dma_start3A_23 = tpu.memref_squeeze %dma_start3A_22 : memref<1x16xi32, #tpu.memory_space<hbm>> -> memref<16xi32, #tpu.memory_space<hbm>>
        %dma_start3A_24 = arith.constant 0 : i32
        %dma_start3A_25 = tpu.memref_slice %arg5[%add3A, %dma_start3A_24] : memref<16x16xi32, #tpu.memory_space<hbm>> -> memref<1x16xi32, #tpu.memory_space<hbm>>
        %dma_start3A_26 = tpu.memref_squeeze %dma_start3A_25 : memref<1x16xi32, #tpu.memory_space<hbm>> -> memref<16xi32, #tpu.memory_space<hbm>>
        tpu.enqueue_dma source(%arg10 : memref<16xi32, #tpu.memory_space<vmem>>) target(%dma_start3A_26 : memref<16xi32, #tpu.memory_space<hbm>>) target_semaphore(%run_scoped3A : memref<!tpu.dma_semaphore, #tpu.memory_space<semaphore_mem>>)
        %dma_wait3A = arith.constant 0 : i32
        %dma_wait3A_27 = tpu.memref_slice %arg5[%add3A, %dma_wait3A] : memref<16x16xi32, #tpu.memory_space<hbm>> -> memref<1x16xi32, #tpu.memory_space<hbm>>
        %dma_wait3A_28 = tpu.memref_squeeze %dma_wait3A_27 : memref<1x16xi32, #tpu.memory_space<hbm>> -> memref<16xi32, #tpu.memory_space<hbm>>
        %dma_wait3A_29 = arith.constant 0 : i32
        %dma_wait3A_30 = tpu.memref_slice %arg5[%add3A, %dma_wait3A_29] : memref<16x16xi32, #tpu.memory_space<hbm>> -> memref<1x16xi32, #tpu.memory_space<hbm>>
        %dma_wait3A_31 = tpu.memref_squeeze %dma_wait3A_30 : memref<1x16xi32, #tpu.memory_space<hbm>> -> memref<16xi32, #tpu.memory_space<hbm>>
        tpu.wait_dma2 semaphore(%run_scoped3A : memref<!tpu.dma_semaphore, #tpu.memory_space<semaphore_mem>>) src(%arg10 : memref<16xi32, #tpu.memory_space<vmem>>) dst(%dma_wait3A_31 : memref<16xi32, #tpu.memory_space<hbm>>)
        tpu.yield
      }) : () -> ()
    } else {
    }
    return
  }
}

module attributes {stable_mosaic.version = 14 : i64} {
  func.func @_tc_expand(%arg0: i32, %arg1: memref<2x1x4096xi32, #tpu.memory_space<vmem>>, %arg2: memref<2x512x256xbf16, #tpu.memory_space<vmem>>, %arg3: memref<2x256x4096xf32, #tpu.memory_space<vmem>>) attributes {dimension_semantics = [#tpu.dimension_semantics<arbitrary>], iteration_bounds = array<i64: 8>, scalar_prefetch = 0 : i64, scratch_operands = 0 : i64, tpu.core_type = #tpu.core_type<tc>, window_params = [{transform_indices = @transform_0, window_bounds = array<i64: 2, 1, 4096>}, {transform_indices = @transform_1, window_bounds = array<i64: 2, 512, 256>}, {transform_indices = @transform_2, window_bounds = array<i64: 2, 256, 4096>}]} {
    %broadcast_in_dim3A = arith.constant 0.000000e+00 : f32
    %broadcast_in_dim3A_0 = vector.broadcast %broadcast_in_dim3A : f32 to vector<256x4096xf32>
    %swap3A = arith.constant 0 : index
    %swap3A_1 = arith.constant 0 : index
    %swap3A_2 = arith.constant 0 : index
    %swap3A_3 = vector.load %arg3[%swap3A, %swap3A_1, %swap3A_2] : memref<2x256x4096xf32, #tpu.memory_space<vmem>>, vector<1x256x4096xf32>
    %swap3A_4 = vector.shape_cast %swap3A_3 : vector<1x256x4096xf32> to vector<256x4096xf32>
    %swap3A_5 = vector.shape_cast %broadcast_in_dim3A_0 : vector<256x4096xf32> to vector<1x256x4096xf32>
    tpu.vector_store %arg3[%swap3A, %swap3A_1, %swap3A_2], %swap3A_5 {strides = array<i32>} : memref<2x256x4096xf32, #tpu.memory_space<vmem>>, vector<1x256x4096xf32>,
    %broadcast_in_dim3A_6 = arith.constant 0.000000e+00 : f32
    %broadcast_in_dim3A_7 = vector.broadcast %broadcast_in_dim3A_6 : f32 to vector<256x4096xf32>
    %swap3A_8 = arith.constant 1 : index
    %swap3A_9 = arith.constant 0 : index
    %swap3A_10 = arith.constant 0 : index
    %swap3A_11 = vector.load %arg3[%swap3A_8, %swap3A_9, %swap3A_10] : memref<2x256x4096xf32, #tpu.memory_space<vmem>>, vector<1x256x4096xf32>
    %swap3A_12 = vector.shape_cast %swap3A_11 : vector<1x256x4096xf32> to vector<256x4096xf32>
    %swap3A_13 = vector.shape_cast %broadcast_in_dim3A_7 : vector<256x4096xf32> to vector<1x256x4096xf32>
    tpu.vector_store %arg3[%swap3A_8, %swap3A_9, %swap3A_10], %swap3A_13 {strides = array<i32>} : memref<2x256x4096xf32, #tpu.memory_space<vmem>>, vector<1x256x4096xf32>,
    return
  }
  func.func @transform_0(%arg0: i32) -> (i32, i32, i32) {
    %c0_i32 = arith.constant 0 : i32
    %c0_i32_0 = arith.constant 0 : i32
    %c0_i32_1 = arith.constant 0 : i32
    return %arg0, %c0_i32, %c0_i32_0 : i32, i32, i32
  }
  func.func @transform_1(%arg0: i32) -> (i32, i32, i32) {
    %c0_i32 = arith.constant 0 : i32
    %c0_i32_0 = arith.constant 0 : i32
    %c0_i32_1 = arith.constant 0 : i32
    return %arg0, %c0_i32, %c0_i32_0 : i32, i32, i32
  }
  func.func @transform_2(%arg0: i32) -> (i32, i32, i32) {
    %c0_i32 = arith.constant 0 : i32
    %c0_i32_0 = arith.constant 0 : i32
    %c0_i32_1 = arith.constant 0 : i32
    return %arg0, %c0_i32, %c0_i32_0 : i32, i32, i32
  }
}

</mosaic_0001>

<sc_bundles>
// kernel: kernel.4.cloned.1.call-start
scs
__scs_entry_jumppad:
0x0: {  	(pc) =	sbr.rel $0x88, $3  }
0x1: {  	(tag) =	ssettag $0x0;
	lr =	simm.s32 $0x1  }
0x2: {  	[smem:$0x3F9F] =	sst lr;
	_ =	strace $0xD0000000  }
0x3: {  	_ = 	snop  }
0x4: {  	_ = 	snop  }
0x5: {  	_ = 	snop  }
0x6: {  	_ = 	snop  }
0x7: {  	_ = 	snop  }
__scs_overlays_trampoline_lowered:
0x8: {  	[smem:$0x3FAE] =	sst s0  }
0x9: {  	[smem:$0x3FAF] =	sst s1  }
0xa: {  	[smem:$0x3FB0] =	sst s2  }
0xb: {  	[smem:$0x3FB1] =	sst s3  }
0xc: {  	[smem:$0x3FB2] =	sst s4  }
0xd: {  	[smem:$0x3FB3] =	sst s5  }
0xe: {  	[smem:$0x3FB4] =	sst s6  }
0xf: {  	[smem:$0x3FB5] =	sst s7  }
0x10: {  	[smem:$0x3FB6] =	sst s8  }
0x11: {  	[smem:$0x3FB7] =	sst s9;
	s0 =	simm.s32 @!p0 $0x0  }
0x12: {  	s1 =	sld [smem:$0x3F9D];
	s0 =	simm.s32 @p0 $0x1  }
0x13: {  	[smem:$0x3FB8] =	sst s0;
	s0 =	simm.s32 @!p1 $0x0  }
0x14: {  	s2 =	sld [smem:$0x3F9C];
	s0 =	simm.s32 @p1 $0x1  }
0x15: {  	[smem:$0x3FB9] =	sst s0;
	s0 =	simm.s32 @!p2 $0x0  }
0x16: {  	s3 =	sld [smem:$0x3FDB];
	s0 =	simm.s32 @p2 $0x1  }
0x17: {  	s4 =	simm.s32 $0x1BF5;
	[smem:$0x3FBB] =	sst s0  }
0x18: {  	s0 =	sld [smem:$0x3F9E];
	_ =	swait.ge [sflag:s4], $0x0  }
0x19: {  	s7 =	sld [smem:$0x3F9F]  }
0x1a: {  	s8 =	sadd.s32 $0xFFFFE003, lr  }
0x1b: {  	s9 =	sadd.s32 $0xFFFFFEF7, lr;
	s5 =	simm.s32 $0xFFFFFFFF;
	p2 =	slt.u32 s8, $0xFFFFF086  }
0x1c: {  	p1 =	slt.u32 s9, $0xF7A;
	s5 =	simm.s32 @!p2 $0x0  }
0x1d: {  	s5 =	simm.s32 @p1 $0x1;
	p0 =	seq.s32 s7, s2  }
0x1e: {  	s7 =	smul.u32 @!p0 $0xF7A, s2;
	p2 =	seq.s32 @!p0 s5, $0x0  }
0x1f: {  	s9 =	smul.u32 $0xF7A, s1;
	s8 =	simm.s32 @!p0 $0x1BF5;
	p2 =	por !p2, p0  }
0x20: {  	[sflag:s8] =	ssyncset.s32 @!p0 $0xFFFFF086;
	s6 =	sadd.s32 @!p0 s3, s7;
	s7 =	simm.s32 @!p0 $0x108  }
0x21: {  	s3 =	sadd.s32 s3, s9;
	s6 =	sadd.s32 @!p0 $0x88, s6;
	s7 =	simm.s32 @p2 $0x1082  }
0x22: {  	[simem:s7], [sflag:s8] =	dma.local @!p0 [hbm:s6], $0xF7A  }
0x23: {  	s9 =	sor.u32 $0xD0000000, s2;
	s6 =	simm.s32 $0x108;
	_ =	swait.ge @!p0 [sflag:s8], $0x0  }
0x24: {  	s3 =	sadd.s32 $0x88, s3;
	s6 =	simm.s32 @!p1 $0x1082;
	[sflag:s4] =	ssyncset.s32 $0xFFFFF086  }
0x25: {  	[simem:s6], [sflag:s4] =	dma.local [hbm:s3], $0xF7A  }
0x26: {  	[smem:$0x3F9F] =	sst s1;
	(tag) =	ssettag s2;
	_ =	strace s9  }
0x27: {  	s1 =	sld [smem:$0x3FAF]  }
0x28: {  	s2 =	sld [smem:$0x3FB0]  }
0x29: {  	s4 =	sld [smem:$0x3FB2]  }
0x2a: {  	p0 =	seq.s32 s5, $0x0;
	s5 =	sld [smem:$0x3FB3]  }
0x2b: {  	s6 =	sld [smem:$0x3FB4]  }
0x2c: {  	s7 =	sld [smem:$0x3FB5]  }
0x2d: {  	s3 =	simm.s32 $0x108;
	s8 =	sld [smem:$0x3FB6]  }
0x2e: {  	s3 =	simm.s32 @!p0 $0x1082;
	s9 =	sld [smem:$0x3FB7]  }
0x2f: {  	lr =	sadd.s32 s0, s3;
	s0 =	sld [smem:$0x3FAE]  }
0x30: {  	s3 =	sld [smem:$0x3FB1]  }
0x31: {  	[smem:$0x3FBA] =	sst s10  }
0x32: {  	s10 =	sld [smem:$0x3FB8];
	_ =	sdelay $0x3  }
0x33: {  	p0 =	seq.s32 s10, $0x1;
	s10 =	sld [smem:$0x3FBA];
	_ =	sdelay $0x3  }
0x34: {  	[smem:$0x3FBA] =	sst s10  }
0x35: {  	s10 =	sld [smem:$0x3FB9];
	_ =	sdelay $0x3  }
0x36: {  	p1 =	seq.s32 s10, $0x1;
	s10 =	sld [smem:$0x3FBA];
	_ =	sdelay $0x3  }
0x37: {  	[smem:$0x3FBA] =	sst s10  }
0x38: {  	s10 =	sld [smem:$0x3FBB]  }
0x39: {  	_ = 	snop;
	(pc) =	sbr.ind lr, $3  }
0x3a: {  	_ = 	snop  }
0x3b: {  	_ = 	snop  }
0x3c: {  	p2 =	seq.s32 s10, $0x1;
	s10 =	sld [smem:$0x3FBA]  }
0x3d: {  	_ =	shalt  }
0x3e: {  	_ =	shalt  }
0x3f: {  	_ =	shalt  }
0x40: {  	_ =	shalt  }
0x41: {  	_ =	shalt  }
0x42: {  	_ =	shalt  }
0x43: {  	_ =	shalt  }
0x44: {  	_ =	shalt  }
0x45: {  	_ =	shalt  }
0x46: {  	_ =	shalt  }
0x47: {  	_ =	shalt  }
0x48: {  	_ =	shalt  }
0x49: {  	_ =	shalt  }
0x4a: {  	_ =	shalt  }
0x4b: {  	_ =	shalt  }
0x4c: {  	_ =	shalt  }
0x4d: {  	_ =	shalt  }
0x4e: {  	_ =	shalt  }
0x4f: {  	_ =	shalt  }
0x50: {  	_ =	shalt  }
0x51: {  	_ =	shalt  }
0x52: {  	_ =	shalt  }
0x53: {  	_ =	shalt  }
0x54: {  	_ =	shalt  }
0x55: {  	_ =	shalt  }
0x56: {  	_ =	shalt  }
0x57: {  	_ =	shalt  }
0x58: {  	_ =	shalt  }
0x59: {  	_ =	shalt  }
0x5a: {  	_ =	shalt  }
0x5b: {  	_ =	shalt  }
0x5c: {  	_ =	shalt  }
0x5d: {  	_ =	shalt  }
0x5e: {  	_ =	shalt  }
0x5f: {  	_ =	shalt  }
0x60: {  	_ =	shalt  }
0x61: {  	_ =	shalt  }
0x62: {  	_ =	shalt  }
0x63: {  	_ =	shalt  }
0x64: {  	_ =	shalt  }
0x65: {  	_ =	shalt  }
0x66: {  	_ =	shalt  }
0x67: {  	_ =	shalt  }
0x68: {  	_ =	shalt  }
0x69: {  	_ =	shalt  }
0x6a: {  	_ =	shalt  }
0x6b: {  	_ =	shalt  }
0x6c: {  	_ =	shalt  }
0x6d: {  	_ =	shalt  }
0x6e: {  	_ =	shalt  }
0x6f: {  	_ =	shalt  }
0x70: {  	_ =	shalt  }
0x71: {  	_ =	shalt  }
0x72: {  	_ =	shalt  }
0x73: {  	_ =	shalt  }
0x74: {  	_ =	shalt  }
0x75: {  	_ =	shalt  }
0x76: {  	_ =	shalt  }
0x77: {  	_ =	shalt  }
0x78: {  	_ =	shalt  }
0x79: {  	_ =	shalt  }
0x7a: {  	_ =	shalt  }
0x7b: {  	_ =	shalt  }
0x7c: {  	_ =	shalt  }
0x7d: {  	_ =	shalt  }
0x7e: {  	_ =	shalt  }
0x7f: {  	_ =	shalt  }
0x80: {  	_ =	shalt  }
0x81: {  	_ =	shalt  }
0x82: {  	_ =	shalt  }
0x83: {  	_ =	shalt  }
0x84: {  	_ =	shalt  }
0x85: {  	_ =	shalt  }
0x86: {  	_ =	shalt  }
0x87: {  	_ =	shalt  }
.Lfunc_end0:
.L_simem_size_0:
called_computation_lowered:
.L_overlay_start_0:
0x88: {  	s2 =	sld [smem:$0x3FD9]  }
0x89: {  	s3 =	sld [smem:$0x3FFE];
	_ =	sdelay $0x1  }
0x8a: {  	s1 =	srdreg.scid  }
0x8b: {  	s0 =	sand.u32 $0x1, s1  }
0x8c: {  	s14 =	sshll.u32 s0, $0xA;
	s2 =	sadd.s32 s3, s2  }
0x8d: {  	s2 =	sadd.s32 s2, s14  }
0x8e: {  	[smem:$0x3FC6] =	sst s2  }
0x8f: {  	_ = 	snop  }
0x90: {  	s2 =	sld [smem:$0x3FD0];
	_ =	sdelay $0x2  }
0x91: {  	s4 =	simm.s32 $0xA;
	s5 =	simm.s32 $0x10;
	s15 =	sld [smem:$0x3FC8]  }
0x92: {  	[smem:s5], [sflag:s4] =	dma.local [hbm:s2], $0x1  }
0x93: {  	_ =	swait.eq [sflag:s4], $0x1  }
0x94: {  	[sflag:s4] =	ssyncset.done $0x0  }
0x95: {  	s16 =	sld [smem:$0x10];
	[sflag:s4] =	ssyncadd.s32 $0xFFFFFFFF  }
0x96: {  	s17 =	sld [smem:$0x11];
	(tm) =	ssettm $0x1  }
0x97: {  	s18 =	sld [smem:$0x3FFB];
	_ =	sdelay $0x3  }
0x98: {  	_ =	strace s18  }
0x99: {  	s5 =	sld [smem:$0x3FFC];
	_ =	sdelay $0x3  }
0x9a: {  	_ =	strace s5  }
0x9b: {  	s5 =	sld [smem:$0x3FFD];
	_ =	sdelay $0x3  }
0x9c: {  	_ =	strace s5  }
0x9d: {  	_ =	strace $0x8FFFFFFF  }
0x9e: {  	s19 =	sld [smem:$0x3FDB];
	_ =	sdelay $0x1  }
0x9f: {  	s6 =	simm.s32 $_scs_section_size  }
0xa0: {  	s7 =	simm.s32 $_size__tile_overlayer_lowered;
	s8 =	simm.s32 $_tile_overlayer_lowered  }
0xa1: {  	s22 =	simm.s32 $0x1BFF;
	s21 =	sshll.u32 s8, $0x1;
	s5 =	sadd.s32 s6, s19  }
0xa2: {  	s9 =	simm.s32 $0x0;
	s20 =	sshll.u32 s7, $0x1;
	s7 =	sadd.s32 s21, s5  }
0xa3: {  	[timem:s9], [sflag:s22] =	dma.local [hbm:s7], s20  }
0xa4: {  	_ =	swait.ge [sflag:s22], s20  }
0xa5: {  	s6 =	ssub.s32 $0x0, s20;
	[sflag:s22] =	ssyncset.done $0x0  }
0xa6: {  	[sflag:s22] =	ssyncadd.s32 s6;
	_ =	sdelay $0x1  }
0xa7: {  	s23 =	simm.s32 $0x1B8B  }
0xa8: {  	_ =	swait.ge [sflag:s23], $0x1  }
0xa9: {  	[sflag:s23] =	ssyncset.done $0x0  }
0xaa: {  	s25 =	simm.s32 $0x1B8E;
	s24 =	sld [smem:$0x3FFE];
	[sflag:s23] =	ssyncadd.s32 $0xFFFFFFFF  }
0xab: {  	s26 =	simm.s32 $execute0_lowered;
	[smem:$0x3FD2] =	sst s25  }
0xac: {  	s7 =	sshll.u32 s26, $0x1;
	_ =	strace $0x80000046;
	[dreg:$0x1] =	wrdreg $0xFFFFFFFF  }
0xad: {  	s28 =	simm.s32 $_size_execute0_lowered;
	s5 =	sadd.s32 s5, s7;
	[dreg:$0x0] =	wrdreg $0x0  }
0xae: {  	s7 =	sshll.u32 s28, $0x1;
	[dreg:$0x2] =	wrdreg s5  }
0xaf: {  	[dreg:$0x3] =	wrdreg s7  }
0xb0: {  	[dreg:$0x4] =	wrdreg $0xC0  }
0xb1: {  	_ =	task [dreg:s9], $0x5FFFF  }
0xb2: {  	[dreg:$0x1] =	wrdreg $0xFFFFFFFF  }
0xb3: {  	[dreg:$0x0] =	wrdreg $0x60  }
0xb4: {  	[dreg:$0x2] =	wrdreg s15  }
0xb5: {  	[dreg:$0x3] =	wrdreg s16  }
0xb6: {  	[dreg:$0x4] =	wrdreg s17  }
0xb7: {  	[dreg:$0x5] =	wrdreg s24  }
0xb8: {  	[dreg:$0x6] =	wrdreg $0x9  }
0xb9: {  	_ =	task.clear_ibuf [dreg:s9], $0x7FFFF;
	_ =	strace $0x90000046  }
0xba: {  	s29 =	simm.s32 $0x9;
	_ =	strace $0x80000048  }
0xbb: {  	_ =	swait.ge [sflag:s29], $0x1  }
0xbc: {  	[sflag:s29] =	ssyncadd.s32 $0xFFFFFFFF  }
0xbd: {  	_ =	strace $0x90000048  }
0xbe: {  	_ =	sfence  }
0xbf: {  	s30 =	sld [smem:$0x0];
	_ =	sdelay $0x2  }
0xc0: {  	s31 =	sshll.u32 s1, $0xD;
	s1 =	sshrl.u32 s1, $0x2  }
0xc1: {  	s3 =	sand.u32 $0x4000, s31;
	s1 =	sadd.s32 s1, s30  }
0xc2: {  	s0 =	sor.u32 s3, s0;
	s1 =	sshll.u32 s1, $0x11  }
0xc3: {  	s0 =	sor.u32 s1, s0  }
0xc4: {  	s0 =	sadd.s32 $0x8F2B, s0  }
0xc5: {  	[sflag:s0] =	ssyncadd.remote.s32 $0x1  }
0xc6: {  	_ =	sfence.sel $0xFFFF  }
0xc7: {  	[dreg:$0x0] =	wrdreg $0xFFFFFFFF;
	(pc) =	sbr.abs _section_cstart, $3  }
0xc8: {  	[dreg:$0x1] =	wrdreg $0xFFFFFFFF  }
0xc9: {  	_ =	task.clear_ibuf [dreg:s9], $0x2FFFF;
	_ =	strace $0x9FFFFFFF  }
0xca: {  	(tm) =	ssettm $0x7FFFFFFF  }
0xcb: {  	_ =	shalt  }
tec
execute0_lowered:
.L_overlay_start_1:
0x0: {  	(tag) =	ssettag $0x1  }
0x1: {  	s1 =	stileid.u32  }
0x2: {  	s6 =	rddreg [dreg:$0x0];
	p0 =	sgt.u32 s1, $0x7  }
.Ltmp0:
0x3: {  	s3 =	rddreg [dreg:$0x1];
	(pc) =	sbr.rel @p0 .LBB2_9-.Ltmp0, $4  }
0x4: {  	s4 =	rddreg [dreg:$0x2]  }
0x5: {  	s5 =	rddreg [dreg:$0x3];
	s2 =	simm.s32 $0x0  }
0x6: {  	[smem:$0x7FF] =	sst s2  }
0x7: {  	s0 =	rddreg [dreg:$0x4];
	_ =	strace $0x80000047  }
0x8: {  	s7 =	srdreg.scid  }
0x9: {  	s8 =	sshll.u32 s1, $0x8;
	s9 =	sshrl.u32 s1, $0x2;
	s12 =	simm.s32 $0x2400  }
0xa: {  	s13 =	simm.s32 $0x0;
	s7 =	sand.u32 $0x1, s7;
	s8 =	sand.u32 $0x300, s8  }
0xb: {  	s29 =	sshll.u32 s9, $0xA;
	s11 =	sshll.u32 s9, $0xF;
	s10 =	sshll.u32 s7, $0x7  }
0xc: {  	s9 =	sshll.u32 s9, $0xC;
	s7 =	ssub.s32 $0x2, s7;
	s8 =	sor.u32 s10, s8  }
0xd: {  	s31 =	sshrl.u32 s7, $0x1;
	s10 =	sor.u32 s29, s8;
	s30 =	sor.u32 s11, s8  }
0xe: {  	s8 =	sor.u32 s9, s8;
	s7 =	ssub.s32 s7, s31;
	s9 =	simm.s32 $0x400  }
0xf: {  	s11 =	simm.s32 $0x1400;
	s10 =	sshrl.u32 s10, $0x3;
	s8 =	sshrl.u32 s8, $0x3  }
0x10: {  	s7 =	smax.u32 s7, $0x1;
	s5 =	sadd.s32 s10, s5;
	s10 =	sshrl.u32 s30, $0x3  }
0x11: {  	s6 =	sadd.s32 s6, s8;
	s8 =	simm.s32 $0x80;
	s3 =	sadd.s32 s3, s10  }
0x12: {  	v0 =	vlaneseq.u32;
	v1 =	vimm.s32 $0x200;
	v2 =	vimm.s32 $0x0;
	s4 =	sadd.s32 s4, s10;
	s5 =	sadd.s32 $0x800, s5;
	s10 =	simm.s32 $0x1  }
.LBB2_2:
0x13: {  	s15 =	simm.s32 $0x0  }
0x14: {  	[tilespmem:s15], [sflag:$0x1] =	stream.strided.gather [hbm4b:s6+s8], $0x200, s9, s8, $0x38;
	[tilespmem:$0x2480] =	vst v63  }
0x15: {  	_ =	swait.ge [sflag:s10], $0x200  }
0x16: {  	[sflag:s10] =	ssyncset.done $0x0  }
0x17: {  	s17 =	simm.s32 $0x0;
	[sflag:s10] =	ssyncadd.s32 $0xFFFFFE00  }
0x18: {  	s14 =	simm.s32 $0x10;
	v4 =	vld [tilespmem:s17+$0x0]  }
0x19: {  	v3 =	vld [tilespmem:s14+$0x0];
	_ =	sdelay $0x3  }
0x1a: {  	(xrf0) =	vadd.scan.msk.s32 $0xffff, v4  }
0x1b: {  	(xrf0) =	vadd.scan.msk.s32 $0xffff, v3;
	_ =	sdelay $0x4  }
0x1c: {  	s16 =	simm.s32 $0x20;
	v8, _, _ =	vpop (xrf0)  }
0x1d: {  	v6 =	vld [tilespmem:s16+$0x0];
	(v2sf) =	vpush v8, $0xF;
	v7, _, _ =	vpop (xrf0)  }
0x1e: {  	(v2sf) =	vpush v7, $0xF;
	_ =	sdelay $0x3  }
0x1f: {  	s18 =	simm.s32 $0x30;
	(xrf0) =	vadd.scan.msk.s32 $0xffff, v6  }
0x20: {  	v5 =	vld [tilespmem:s18+$0x0];
	_ =	sdelay $0x3  }
0x21: {  	s19 =	simm.s32 $0x100  }
.LBB2_3:
0x22: {  	s20 =	sshra.s32 s19, $0x2;
	p0 =	seq.s32 s19, $0x7C0;
	s19 =	sadd.s32 $0x40, s19;
	(xrf0) =	vadd.scan.msk.s32 $0xffff, v5;
	v9, _, _ =	vpop (xrf0);
	v10 =	vsub.s32 s15, v4;
	v4 =	vmov v3;
	v3 =	vmov v6  }
.Ltmp1:
0x23: {  	v6 =	vmovc v5;
	(v2sf) =	vpush v9, $0xF;
	v10 =	vadd.s32 v8, v10;
	v8 =	vmovc v7;
	v7 =	vmov v9;
	v5 =	vld [tilespmem:s20+$0x0];
	(pc) =	sbr.rel @!p0 .LBB2_3-.Ltmp1, $4  }
0x24: {  	[tilespmem:s17+$0x200] =	vst v10;
	s17 =	smov.u32 s14;
	s14 =	smov.u32 s16;
	s16 =	smov.u32 s18  }
0x25: {  	s18 =	smov.u32 s20  }
0x26: {  	s20 =	spop (v2sf)  }
0x27: {  	s15 =	sadd.s32 s15, s20  }
0x28: {  	(xrf0) =	vadd.scan.msk.s32 $0xffff, v5;
	_ =	sdelay $0x3  }
0x29: {  	v9, _, _ =	vpop (xrf0)  }
0x2a: {  	(v2sf) =	vpush v9, $0xF  }
0x2b: {  	v10, _, _ =	vpop (xrf0)  }
0x2c: {  	(v2sf) =	vpush v10, $0xF;
	_ =	sdelay $0xa  }
0x2d: {  	s19 =	spop (v2sf)  }
0x2e: {  	v4 =	vsub.s32 s15, v4;
	s28 =	sadd.s32 s15, s19;
	s29 =	spop (v2sf)  }
0x2f: {  	v4 =	vadd.s32 v8, v4;
	v3 =	vsub.s32 s28, v3;
	s15 =	sadd.s32 s28, s29;
	s30 =	spop (v2sf)  }
0x30: {  	[tilespmem:s17+$0x200] =	vst v4;
	v3 =	vadd.s32 v7, v3;
	v4 =	vsub.s32 s15, v6;
	s15 =	sadd.s32 s15, s30  }
0x31: {  	[tilespmem:s14+$0x200] =	vst v3;
	v3 =	vadd.s32 v9, v4;
	v4 =	vsub.s32 s15, v5;
	s31 =	spop (v2sf)  }
0x32: {  	s17 =	simm.s32 $0x0;
	[tilespmem:s16+$0x200] =	vst v3;
	v3 =	vadd.s32 v10, v4;
	s15 =	sadd.s32 s15, s31  }
0x33: {  	s14 =	simm.s32 $0x0;
	s16 =	simm.s32 $0x1400;
	[tilespmem:s18+$0x200] =	vst v3;
	v3 =	vmov s15;
	s15 =	simm.s32 $0x400  }
.LBB2_5:
0x34: {  	p0 =	sne.s32 s17, $0xFF0  }
.Ltmp2:
0x35: {  	_ = 	snop;
	(pc) =	sbr.rel @p0 .LBB2_5-.Ltmp2, $4  }
0x36: {  	v4 =	vor.u32 s17, v0  }
0x37: {  	vm0 =	vlt.s32 v4, v3  }
0x38: {  	[tilespmem:s15+$0x0] =	vst v1;
	v4 =	vsel vm0, $0x3F800000, v2  }
0x39: {  	s15 =	sadd.s32 $0x10, s15;
	s17 =	sadd.s32 $0x10, s17;
	[tilespmem:s16+$0x0] =	vst v4;
	s16 =	sadd.s32 $0x10, s16  }
0x3a: {  	v5 =	vld [tilespmem:s14+$0x0]  }
0x3b: {  	s15 =	simm.s32 $0x200  }
0x3c: {  	v6 =	vld [tilespmem:s15+$0x0];
	_ =	sdelay $0x2  }
0x3d: {  	vm0 =	vgt.s32 v5, $0x0  }
0x3e: {  	vm1 =	vgt.s32 v5, $0x1  }
0x3f: {  	vm2 =	vgt.s32 v5, $0x2;
	v7 =	vadd.s32 $0x1, v6  }
0x40: {  	vm3 =	vgt.s32 v5, $0x3;
	v8 =	vadd.s32 $0x2, v6  }
0x41: {  	vm4 =	vgt.s32 v5, $0x4;
	v9 =	vadd.s32 $0x3, v6  }
0x42: {  	v4 =	vor.u32 s14, v0;
	vm5 =	vgt.s32 v5, $0x5;
	v10 =	vadd.s32 $0x4, v6  }
0x43: {  	v11 =	vadd.s32 $0x5, v6;
	[tilespmem:v6+s9+$0x0] =	vst.idx.msk vm0, v4;
	vm0 =	vgt.s32 v5, $0x6  }
0x44: {  	v5 =	vadd.s32 $0x6, v6;
	[tilespmem:v7+s9+$0x0] =	vst.idx.msk vm1, v4  }
0x45: {  	[tilespmem:v8+s9+$0x0] =	vst.idx.msk vm2, v4  }
0x46: {  	[tilespmem:v9+s9+$0x0] =	vst.idx.msk vm3, v4  }
0x47: {  	[tilespmem:v10+s9+$0x0] =	vst.idx.msk vm4, v4  }
0x48: {  	s16 =	simm.s32 $0x10;
	[tilespmem:v11+s9+$0x0] =	vst.idx.msk vm5, v4  }
.LBB2_7:
0x49: {  	p0 =	sne.s32 s16, $0x1F0;
	[tilespmem:v5+s9+$0x0] =	vst.idx.msk vm0, v4;
	s14 =	sadd.s32 $0x10, s14;
	s15 =	sadd.s32 $0x10, s15  }
0x4a: {  	s17 =	smov.u32 s16;
	s16 =	sadd.s32 $0x10, s16;
	v5 =	vld [tilespmem:s14+$0x0];
	_ =	sdelay $0x1  }
0x4b: {  	v6 =	vld [tilespmem:s15+$0x0];
	_ =	sdelay $0x2  }
0x4c: {  	vm0 =	vgt.s32 v5, $0x0  }
0x4d: {  	vm1 =	vgt.s32 v5, $0x1  }
0x4e: {  	vm2 =	vgt.s32 v5, $0x2;
	v7 =	vadd.s32 $0x1, v6  }
0x4f: {  	vm3 =	vgt.s32 v5, $0x3;
	v8 =	vadd.s32 $0x2, v6  }
0x50: {  	vm4 =	vgt.s32 v5, $0x4;
	v9 =	vadd.s32 $0x3, v6  }
0x51: {  	v4 =	vor.u32 s17, v0;
	vm5 =	vgt.s32 v5, $0x5;
	v10 =	vadd.s32 $0x4, v6  }
0x52: {  	v11 =	vadd.s32 $0x5, v6;
	[tilespmem:v6+s9+$0x0] =	vst.idx.msk vm0, v4;
	vm0 =	vgt.s32 v5, $0x6  }
.Ltmp3:
0x53: {  	v5 =	vadd.s32 $0x6, v6;
	[tilespmem:v7+s9+$0x0] =	vst.idx.msk vm1, v4;
	(pc) =	sbr.rel @p0 .LBB2_7-.Ltmp3, $4  }
0x54: {  	[tilespmem:v8+s9+$0x0] =	vst.idx.msk vm2, v4  }
0x55: {  	[tilespmem:v9+s9+$0x0] =	vst.idx.msk vm3, v4  }
0x56: {  	[tilespmem:v10+s9+$0x0] =	vst.idx.msk vm4, v4  }
0x57: {  	[tilespmem:v11+s9+$0x0] =	vst.idx.msk vm5, v4  }
0x58: {  	_ =	sdelay $0x4  }
0x59: {  	[tilespmem:v5+s9+$0x0] =	vst.idx.msk vm0, v4  }
0x5a: {  	[tilespmem:$0x2400] =	vst v3  }
0x5b: {  	[hbm4b:s3+s8] =	stream.strided.scatter [tilespmem:s9], [sflag:$0x1], $0x1000, s9, s8, $0x38;
	[tilespmem:$0x2480] =	vst v63  }
0x5c: {  	_ =	swait.ge [sflag:s10], $0x1000  }
0x5d: {  	[sflag:s10] =	ssyncset.done $0x0  }
0x5e: {  	[sflag:s10] =	ssyncadd.s32 $0xFFFFF000  }
0x5f: {  	[hbm4b:s4+s8] =	stream.strided.scatter [tilespmem:s11], [sflag:$0x1], $0x1000, s9, s8, $0x38;
	[tilespmem:$0x2480] =	vst v63  }
0x60: {  	s13 =	sadd.s32 $0x1, s13;
	_ =	swait.ge [sflag:s10], $0x1000  }
0x61: {  	p0 =	sne.s32 s13, s7;
	[sflag:s10] =	ssyncset.done $0x0  }
.Ltmp4:
0x62: {  	[sflag:s10] =	ssyncadd.s32 $0xFFFFF000;
	(pc) =	sbr.rel @p0 .LBB2_2-.Ltmp4, $4  }
0x63: {  	[hbm4b:s5+s2] =	stream.linear.scatter [tilespmem:s12], [sflag:$0x1], $0x80, $0x38;
	[tilespmem:$0x2480] =	vst v63  }
0x64: {  	_ =	swait.ge [sflag:s10], $0x80  }
0x65: {  	[sflag:s10] =	ssyncset.done $0x0  }
0x66: {  	[sflag:s10] =	ssyncadd.s32 $0xFFFFFF80  }
.LBB2_9:
0x67: {  	_ =	sfence.sel $0x180000  }
0x68: {  	[bflag:$0x0] =	sbarrier.arrive $0xFFFF  }
0x69: {  	p0 =	sne.s32 s1, $0x0;
	_ =	strace $0x90000047  }
0x6a: {  	s0 =	sadd.s32 @!p0 $0x100000, s0;
	[bflag:$0x2] =	sbarrier.arrive $0xFFFF  }
0x6b: {  	[sflag:s0] =	ssyncadd.tile.s32 @!p0 $0x1;
	_ =	shalt  }
.Lfunc_end2:
_tile_overlayer_lowered:
.L_overlay_start_2:
0x6c: {  	(tag) =	ssettag $0x2  }
0x6d: {  	s0 =	rddreg [dreg:$0x0];
	s2 =	stileid.u32  }
0x6e: {  	s1 =	rddreg [dreg:$0x1];
	p0 =	sne.s32 s2, $0x0  }
0x6f: {  	s3 =	rddreg [dreg:$0x2];
	[bflag:$0x3] =	sbarrier.arrive $0xFFFF;
	s2 =	simm.s32 @!p0 $0x1C01  }
0x70: {  	[timem:s3], [sflag:s2] =	dma.local @!p0 [hbm:s0], s1  }
0x71: {  	s0 =	simm.s32 @!p0 $0x1  }
0x72: {  	_ =	swait.ge @!p0 [sflag:s0], s1  }
0x73: {  	s1 =	ssub.s32 @!p0 $0x0, s1;
	[sflag:s0] =	ssyncset.done @!p0 $0x0  }
0x74: {  	[sflag:s0] =	ssyncadd.s32 @!p0 s1  }
0x75: {  	[bflag:$0x3] =	sbarrier.arrive $0xFFFF  }
0x76: {  	_ =	shalt  }

</sc_bundles>
